<compile_context>
chip_gen: v7x
topology: tpu7x:2x2x1
jax: 0.10.2.dev20260603
libtpu: 0.0.44.dev20260713+nightly
codegen_flags: <defaults>
</compile_context>

<pallas_src>
import functools

import jax
import jax.numpy as jnp
from jax import lax
from jax.experimental import pallas as pl
from jax.experimental.pallas import tpu as pltpu
from jax.experimental.pallas import tpu_sc as plsc

NC = 2
NS = 16
NW = NC * NS
L = 16


def _lin_body(dim_ref, idx_ref, o_ref, *, d):
    col = lax.broadcasted_iota(jnp.int32, idx_ref.shape, 1) % d
    o_ref[...] = (idx_ref[...] + dim_ref[0]) * d + col


def _scatter_body(out_hbm, lin_hbm, val_hbm, idx_v, val_v, sem):
    c = lax.axis_index("c")
    s = lax.axis_index("s")
    wid = c * NS + s

    pltpu.sync_copy(lin_hbm.at[wid], idx_v)
    pltpu.sync_copy(val_hbm, val_v)

    sc = pltpu.make_async_copy(val_v.at[0], out_hbm.at[idx_v.at[0]], sem)
    sc.start()
    sc.wait()


def kernel(x, dim, index, value):
    m, d = x.shape
    b = index.shape[0]
    md = m * d
    nidx = b * d

    per_w = nidx // NW

    xf = x.reshape(md)
    vals = jnp.full((1, per_w), value, jnp.float32)

    icols = 128
    irows = nidx // icols
    dim_arr = jnp.asarray(dim, jnp.int32).reshape(1)
    lin = pl.pallas_call(
        functools.partial(_lin_body, d=d),
        in_specs=[
            pl.BlockSpec(memory_space=pltpu.SMEM),
            pl.BlockSpec((irows, icols), lambda: (0, 0)),
        ],
        out_specs=pl.BlockSpec((irows, icols), lambda: (0, 0)),
        out_shape=jax.ShapeDtypeStruct((irows, icols), jnp.int32),
    )(dim_arr, index.reshape(irows, icols))
    lin3 = lin.reshape(NW, 1, per_w)

    out_ref = jax.new_ref(xf)
    mesh = plsc.VectorSubcoreMesh(
        core_axis_name="c", subcore_axis_name="s", num_cores=NC, num_subcores=NS
    )
    scatter = pl.kernel(
        _scatter_body,
        out_type=(),
        mesh=mesh,
        scratch_types=[
            pltpu.VMEM((1, per_w), jnp.int32),
            pltpu.VMEM((1, per_w), jnp.float32),
            pltpu.SemaphoreType.DMA,
        ],
    )
    scatter(out_ref, lin3, vals)
    return out_ref[...].reshape(m, d)

# --- scband reference (transcript-rebuilt; emitter-appended) ---
"""Pipeline reference for scband-torch-ops-aten-scatter-dimname-value-module-53987738910859 (READ-ONLY COPY).

The authoritative reference and input builder live on the scoring server;
editing this copy changes nothing except your own understanding.
"""

import jax, jax.numpy as jnp
import numpy as np

M = 1000000
D = 16
B = 16384

def setup_inputs(seed: int = 0) -> dict:
    key = jax.random.key(seed)
    k1, k2 = jax.random.split(key)
    x = jax.random.normal(k1, (M, D), dtype=jnp.float32)
    index = jax.random.randint(k2, (B, D), 0, M, dtype=jnp.int32)
    return {"x": x, "dim": 0, "index": index, "value": 0}

def reference(x, dim, index, value):
    # Faithful translation of torch.ops.aten.scatter.dimname_value(x, dim, index, value)
    # with dim == 0: out[index[i, j], j] = value for all (i, j) in index's shape;
    # all other positions copy x. Duplicate indices resolve arbitrarily (same as torch).
    rows = index + jnp.asarray(dim, dtype=index.dtype)
    cols = jnp.broadcast_to(jnp.arange(x.shape[1], dtype=index.dtype)[None, :], index.shape)
    out = x.at[rows, cols].set(jnp.asarray(value, dtype=jnp.float32))
    return out

if __name__ == "__main__":
    import jax
    _d = setup_inputs()
    print(jax.jit(kernel)(*tuple(_d.values())))

</pallas_src>

<mosaic_0001>
#map = affine_map<(d0, d1) -> (0)>
#map1 = affine_map<(d0, d1) -> (0, 0, 0)>
#map2 = affine_map<(d0, d1) -> (0, 0)>
module attributes {stable_mosaic.version = 14 : i64} {
  func.func @new_body(%arg0: i32, %arg1: i32, %arg2: memref<16000000xf32, #tpu.memory_space<hbm>>, %arg3: memref<32x1x8192xi32, #tpu.memory_space<hbm>>, %arg4: memref<1x8192xf32, #tpu.memory_space<hbm>>, %arg5: memref<16000000xf32, #tpu.memory_space<hbm>>, %arg6: memref<1x8192xi32, #tpu.memory_space<vmem>>, %arg7: memref<1x8192xf32, #tpu.memory_space<vmem>>, %arg8: memref<!tpu.dma_semaphore, #tpu.memory_space<semaphore_mem>>) attributes {dimension_semantics = [#tpu.dimension_semantics<core_parallel>, #tpu.dimension_semantics<subcore_parallel>], iteration_bounds = array<i64: 2, 16>, scalar_prefetch = 0 : i64, scratch_operands = 3 : i64, tpu.core_type = #tpu.core_type<sc_vector_subcore>, window_params = [{transform_indices = #map}, {transform_indices = #map1}, {transform_indices = #map2}, {transform_indices = #map}]} {
    %mul3A = arith.constant 16 : i32
    %mul3A_0 = arith.muli %arg0, %mul3A : i32
    %add3A = arith.addi %mul3A_0, %arg1 : i32
    "tpu.region"() ({
      %run_scoped3A = tpu.sem_alloc : memref<!tpu.dma_semaphore, #tpu.memory_space<semaphore_mem>>
      %dma_start3A_19 = arith.constant 0 : i32
      %dma_start3A_20 = arith.constant 0 : i32
      %dma_start3A_21 = tpu.memref_slice %arg3[%add3A, %dma_start3A_19, %dma_start3A_20] : memref<32x1x8192xi32, #tpu.memory_space<hbm>> -> memref<1x1x8192xi32, #tpu.memory_space<hbm>>
      %dma_start3A_22 = tpu.memref_squeeze %dma_start3A_21 : memref<1x1x8192xi32, #tpu.memory_space<hbm>> -> memref<1x8192xi32, #tpu.memory_space<hbm>>
      %dma_start3A_23 = arith.constant 0 : i32
      %dma_start3A_24 = arith.constant 0 : i32
      %dma_start3A_25 = tpu.memref_slice %arg3[%add3A, %dma_start3A_23, %dma_start3A_24] : memref<32x1x8192xi32, #tpu.memory_space<hbm>> -> memref<1x1x8192xi32, #tpu.memory_space<hbm>>
      %dma_start3A_26 = tpu.memref_squeeze %dma_start3A_25 : memref<1x1x8192xi32, #tpu.memory_space<hbm>> -> memref<1x8192xi32, #tpu.memory_space<hbm>>
      tpu.enqueue_dma source(%dma_start3A_26 : memref<1x8192xi32, #tpu.memory_space<hbm>>) target(%arg6 : memref<1x8192xi32, #tpu.memory_space<vmem>>) target_semaphore(%run_scoped3A : memref<!tpu.dma_semaphore, #tpu.memory_space<semaphore_mem>>)
      %dma_wait3A_27 = arith.constant 0 : i32
      %dma_wait3A_28 = arith.constant 0 : i32
      %dma_wait3A_29 = tpu.memref_slice %arg3[%add3A, %dma_wait3A_27, %dma_wait3A_28] : memref<32x1x8192xi32, #tpu.memory_space<hbm>> -> memref<1x1x8192xi32, #tpu.memory_space<hbm>>
      %dma_wait3A_30 = tpu.memref_squeeze %dma_wait3A_29 : memref<1x1x8192xi32, #tpu.memory_space<hbm>> -> memref<1x8192xi32, #tpu.memory_space<hbm>>
      %dma_wait3A_31 = arith.constant 0 : i32
      %dma_wait3A_32 = arith.constant 0 : i32
      %dma_wait3A_33 = tpu.memref_slice %arg3[%add3A, %dma_wait3A_31, %dma_wait3A_32] : memref<32x1x8192xi32, #tpu.memory_space<hbm>> -> memref<1x1x8192xi32, #tpu.memory_space<hbm>>
      %dma_wait3A_34 = tpu.memref_squeeze %dma_wait3A_33 : memref<1x1x8192xi32, #tpu.memory_space<hbm>> -> memref<1x8192xi32, #tpu.memory_space<hbm>>
      tpu.wait_dma2 semaphore(%run_scoped3A : memref<!tpu.dma_semaphore, #tpu.memory_space<semaphore_mem>>) src(%dma_wait3A_34 : memref<1x8192xi32, #tpu.memory_space<hbm>>) dst(%arg6 : memref<1x8192xi32, #tpu.memory_space<vmem>>)
      tpu.yield
    }) : () -> ()
    "tpu.region"() ({
      %run_scoped3A = tpu.sem_alloc : memref<!tpu.dma_semaphore, #tpu.memory_space<semaphore_mem>>
      tpu.enqueue_dma source(%arg4 : memref<1x8192xf32, #tpu.memory_space<hbm>>) target(%arg7 : memref<1x8192xf32, #tpu.memory_space<vmem>>) target_semaphore(%run_scoped3A : memref<!tpu.dma_semaphore, #tpu.memory_space<semaphore_mem>>)
      tpu.wait_dma2 semaphore(%run_scoped3A : memref<!tpu.dma_semaphore, #tpu.memory_space<semaphore_mem>>) src(%arg4 : memref<1x8192xf32, #tpu.memory_space<hbm>>) dst(%arg7 : memref<1x8192xf32, #tpu.memory_space<vmem>>)
      tpu.yield
    }) : () -> ()
    %dma_start3A = arith.constant 0 : i32
    %dma_start3A_1 = arith.constant 0 : i32
    %dma_start3A_2 = arith.constant 0 : i32
    %dma_start3A_3 = tpu.memref_slice %arg7[%dma_start3A, %dma_start3A_2] : memref<1x8192xf32, #tpu.memory_space<vmem>> -> memref<1x8192xf32, #tpu.memory_space<vmem>>
    %dma_start3A_4 = tpu.memref_squeeze %dma_start3A_3 : memref<1x8192xf32, #tpu.memory_space<vmem>> -> memref<8192xf32, #tpu.memory_space<vmem>>
    %dma_start3A_5 = arith.constant 0 : i32
    %dma_start3A_6 = tpu.memref_slice %arg6[%dma_start3A_1, %dma_start3A_5] : memref<1x8192xi32, #tpu.memory_space<vmem>> -> memref<1x8192xi32, #tpu.memory_space<vmem>>
    %dma_start3A_7 = tpu.memref_squeeze %dma_start3A_6 : memref<1x8192xi32, #tpu.memory_space<vmem>> -> memref<8192xi32, #tpu.memory_space<vmem>>
    %dma_start3A_8 = arith.constant 0 : i32
    %dma_start3A_9 = tpu.memref_slice %arg2[%dma_start3A_8] : memref<16000000xf32, #tpu.memory_space<hbm>> -> memref<16000000xf32, #tpu.memory_space<hbm>>
    tpu.enqueue_indirect_dma source(%dma_start3A_4 : memref<8192xf32, #tpu.memory_space<vmem>>) target(%dma_start3A_9 : memref<16000000xf32, #tpu.memory_space<hbm>>) offsets(%dma_start3A_7 : memref<8192xi32, #tpu.memory_space<vmem>>) semaphore(%arg8 : memref<!tpu.dma_semaphore, #tpu.memory_space<semaphore_mem>>)
    %dma_wait3A = arith.constant 0 : i32
    %dma_wait3A_10 = arith.constant 0 : i32
    %dma_wait3A_11 = arith.constant 0 : i32
    %dma_wait3A_12 = tpu.memref_slice %arg7[%dma_wait3A, %dma_wait3A_11] : memref<1x8192xf32, #tpu.memory_space<vmem>> -> memref<1x8192xf32, #tpu.memory_space<vmem>>
    %dma_wait3A_13 = tpu.memref_squeeze %dma_wait3A_12 : memref<1x8192xf32, #tpu.memory_space<vmem>> -> memref<8192xf32, #tpu.memory_space<vmem>>
    %dma_wait3A_14 = arith.constant 0 : i32
    %dma_wait3A_15 = tpu.memref_slice %arg6[%dma_wait3A_10, %dma_wait3A_14] : memref<1x8192xi32, #tpu.memory_space<vmem>> -> memref<1x8192xi32, #tpu.memory_space<vmem>>
    %dma_wait3A_16 = tpu.memref_squeeze %dma_wait3A_15 : memref<1x8192xi32, #tpu.memory_space<vmem>> -> memref<8192xi32, #tpu.memory_space<vmem>>
    %dma_wait3A_17 = arith.constant 0 : i32
    %dma_wait3A_18 = tpu.memref_slice %arg2[%dma_wait3A_17] : memref<16000000xf32, #tpu.memory_space<hbm>> -> memref<16000000xf32, #tpu.memory_space<hbm>>
    tpu.wait_indirect_dma semaphore(%arg8 : memref<!tpu.dma_semaphore, #tpu.memory_space<semaphore_mem>>) src(%dma_wait3A_13 : memref<8192xf32, #tpu.memory_space<vmem>>) dst(%dma_wait3A_18 : memref<16000000xf32, #tpu.memory_space<hbm>>)
    return
  }
}

module attributes {stable_mosaic.version = 14 : i64} {
  func.func @_lin_body(%arg0: memref<1xi32, #tpu.memory_space<smem>>, %arg1: memref<2048x128xi32, #tpu.memory_space<vmem>>, %arg2: memref<2048x128xi32, #tpu.memory_space<vmem>>) attributes {dimension_semantics = [], scalar_prefetch = 0 : i64, scratch_operands = 0 : i64, tpu.core_type = #tpu.core_type<tc>} {
    %iota3A = tpu.iota {dimensions = array<i32: 1>} : vector<2048x128xi32>
    %jit3A = arith.constant 16 : i32
    %eq3A = arith.constant 0 : i32
    %eq3A_0 = arith.cmpi eq, %jit3A, %eq3A : i32
    %jit3A_1 = arith.constant 1 : i32
    %select_n3A = arith.select %eq3A_0, %jit3A_1, %jit3A : i32
    %rem3A = vector.broadcast %select_n3A : i32 to vector<2048x128xi32>
    %rem3A_2 = arith.remsi %iota3A, %rem3A : vector<2048x128xi32>
    %ne3A = arith.constant 0 : i32
    %ne3A_3 = vector.broadcast %ne3A : i32 to vector<2048x128xi32>
    %ne3A_4 = arith.cmpi ne, %rem3A_2, %ne3A_3 : vector<2048x128xi32>
    %lt3A = arith.constant 0 : i32
    %lt3A_5 = vector.broadcast %lt3A : i32 to vector<2048x128xi32>
    %lt3A_6 = arith.cmpi slt, %rem3A_2, %lt3A_5 : vector<2048x128xi32>
    %lt3A_7 = arith.constant 0 : i32
    %lt3A_8 = arith.cmpi slt, %select_n3A, %lt3A_7 : i32
    %ne3A_9 = vector.broadcast %lt3A_8 : i1 to vector<2048x128xi1>
    %ne3A_10 = vector.broadcast %ne3A_9 : vector<2048x128xi1> to vector<2048x128xi1>
    %ne3A_11 = arith.xori %lt3A_6, %ne3A_10 : vector<2048x128xi1>
    %and3A = arith.andi %ne3A_11, %ne3A_4 : vector<2048x128xi1>
    %add3A = vector.broadcast %select_n3A : i32 to vector<2048x128xi32>
    %add3A_12 = arith.addi %rem3A_2, %add3A : vector<2048x128xi32>
    %select_n3A_13 = arith.select %and3A, %add3A_12, %rem3A_2 : vector<2048x128xi1>, vector<2048x128xi32>
    %get3A = arith.constant 0 : index
    %get3A_14 = arith.constant 0 : index
    %get3A_15 = vector.load %arg1[%get3A, %get3A_14] : memref<2048x128xi32, #tpu.memory_space<vmem>>, vector<2048x128xi32>
    %get3A_16 = arith.constant 0 : index
    %get3A_17 = memref.load %arg0[%get3A_16] : memref<1xi32, #tpu.memory_space<smem>>
    %add3A_18 = vector.broadcast %get3A_17 : i32 to vector<2048x128xi32>
    %add3A_19 = arith.addi %get3A_15, %add3A_18 : vector<2048x128xi32>
    %mul3A = arith.constant 16 : i32
    %mul3A_20 = vector.broadcast %mul3A : i32 to vector<2048x128xi32>
    %mul3A_21 = arith.muli %add3A_19, %mul3A_20 : vector<2048x128xi32>
    %add3A_22 = arith.addi %mul3A_21, %select_n3A_13 : vector<2048x128xi32>
    %swap3A = arith.constant 0 : index
    %swap3A_23 = arith.constant 0 : index
    %swap3A_24 = vector.load %arg2[%swap3A, %swap3A_23] : memref<2048x128xi32, #tpu.memory_space<vmem>>, vector<2048x128xi32>
    tpu.vector_store %arg2[%swap3A, %swap3A_23], %add3A_22 {strides = array<i32>} : memref<2048x128xi32, #tpu.memory_space<vmem>>, vector<2048x128xi32>,
    return
  }
}

</mosaic_0001>

<sc_bundles>
// kernel: kernel.4.cloned.1.call-start
scs
__scs_entry_jumppad:
0x0: {  	(pc) =	sbr.rel $0x88, $3  }
0x1: {  	(tag) =	ssettag $0x0;
	lr =	simm.s32 $0x1  }
0x2: {  	[smem:$0x3F9D] =	sst lr;
	_ =	strace $0xD0000000  }
0x3: {  	_ = 	snop  }
0x4: {  	_ = 	snop  }
0x5: {  	_ = 	snop  }
0x6: {  	_ = 	snop  }
0x7: {  	_ = 	snop  }
__scs_overlays_trampoline_lowered:
0x8: {  	[smem:$0x3FAC] =	sst s0  }
0x9: {  	[smem:$0x3FAD] =	sst s1  }
0xa: {  	[smem:$0x3FAE] =	sst s2  }
0xb: {  	[smem:$0x3FAF] =	sst s3  }
0xc: {  	[smem:$0x3FB0] =	sst s4  }
0xd: {  	[smem:$0x3FB1] =	sst s5  }
0xe: {  	[smem:$0x3FB2] =	sst s6  }
0xf: {  	[smem:$0x3FB3] =	sst s7  }
0x10: {  	[smem:$0x3FB4] =	sst s8  }
0x11: {  	[smem:$0x3FB5] =	sst s9;
	s0 =	simm.s32 @!p0 $0x0  }
0x12: {  	s1 =	sld [smem:$0x3F9B];
	s0 =	simm.s32 @p0 $0x1  }
0x13: {  	[smem:$0x3FB6] =	sst s0;
	s0 =	simm.s32 @!p1 $0x0  }
0x14: {  	s2 =	sld [smem:$0x3F9A];
	s0 =	simm.s32 @p1 $0x1  }
0x15: {  	[smem:$0x3FB7] =	sst s0;
	s0 =	simm.s32 @!p2 $0x0  }
0x16: {  	s3 =	sld [smem:$0x3FDB];
	s0 =	simm.s32 @p2 $0x1  }
0x17: {  	s4 =	simm.s32 $0x1BF5;
	[smem:$0x3FB9] =	sst s0  }
0x18: {  	s0 =	sld [smem:$0x3F9C];
	_ =	swait.ge [sflag:s4], $0x0  }
0x19: {  	s7 =	sld [smem:$0x3F9D]  }
0x1a: {  	s8 =	sadd.s32 $0xFFFFE003, lr  }
0x1b: {  	s9 =	sadd.s32 $0xFFFFFEF7, lr;
	s5 =	simm.s32 $0xFFFFFFFF;
	p2 =	slt.u32 s8, $0xFFFFF086  }
0x1c: {  	p1 =	slt.u32 s9, $0xF7A;
	s5 =	simm.s32 @!p2 $0x0  }
0x1d: {  	s5 =	simm.s32 @p1 $0x1;
	p0 =	seq.s32 s7, s2  }
0x1e: {  	s7 =	smul.u32 @!p0 $0xF7A, s2;
	p2 =	seq.s32 @!p0 s5, $0x0  }
0x1f: {  	s9 =	smul.u32 $0xF7A, s1;
	s8 =	simm.s32 @!p0 $0x1BF5;
	p2 =	por !p2, p0  }
0x20: {  	[sflag:s8] =	ssyncset.s32 @!p0 $0xFFFFF086;
	s6 =	sadd.s32 @!p0 s3, s7;
	s7 =	simm.s32 @!p0 $0x108  }
0x21: {  	s3 =	sadd.s32 s3, s9;
	s6 =	sadd.s32 @!p0 $0x88, s6;
	s7 =	simm.s32 @p2 $0x1082  }
0x22: {  	[simem:s7], [sflag:s8] =	dma.local @!p0 [hbm:s6], $0xF7A  }
0x23: {  	s9 =	sor.u32 $0xD0000000, s2;
	s6 =	simm.s32 $0x108;
	_ =	swait.ge @!p0 [sflag:s8], $0x0  }
0x24: {  	s3 =	sadd.s32 $0x88, s3;
	s6 =	simm.s32 @!p1 $0x1082;
	[sflag:s4] =	ssyncset.s32 $0xFFFFF086  }
0x25: {  	[simem:s6], [sflag:s4] =	dma.local [hbm:s3], $0xF7A  }
0x26: {  	[smem:$0x3F9D] =	sst s1;
	(tag) =	ssettag s2;
	_ =	strace s9  }
0x27: {  	s1 =	sld [smem:$0x3FAD]  }
0x28: {  	s2 =	sld [smem:$0x3FAE]  }
0x29: {  	s4 =	sld [smem:$0x3FB0]  }
0x2a: {  	p0 =	seq.s32 s5, $0x0;
	s5 =	sld [smem:$0x3FB1]  }
0x2b: {  	s6 =	sld [smem:$0x3FB2]  }
0x2c: {  	s7 =	sld [smem:$0x3FB3]  }
0x2d: {  	s3 =	simm.s32 $0x108;
	s8 =	sld [smem:$0x3FB4]  }
0x2e: {  	s3 =	simm.s32 @!p0 $0x1082;
	s9 =	sld [smem:$0x3FB5]  }
0x2f: {  	lr =	sadd.s32 s0, s3;
	s0 =	sld [smem:$0x3FAC]  }
0x30: {  	s3 =	sld [smem:$0x3FAF]  }
0x31: {  	[smem:$0x3FB8] =	sst s10  }
0x32: {  	s10 =	sld [smem:$0x3FB6];
	_ =	sdelay $0x3  }
0x33: {  	p0 =	seq.s32 s10, $0x1;
	s10 =	sld [smem:$0x3FB8];
	_ =	sdelay $0x3  }
0x34: {  	[smem:$0x3FB8] =	sst s10  }
0x35: {  	s10 =	sld [smem:$0x3FB7];
	_ =	sdelay $0x3  }
0x36: {  	p1 =	seq.s32 s10, $0x1;
	s10 =	sld [smem:$0x3FB8];
	_ =	sdelay $0x3  }
0x37: {  	[smem:$0x3FB8] =	sst s10  }
0x38: {  	s10 =	sld [smem:$0x3FB9]  }
0x39: {  	_ = 	snop;
	(pc) =	sbr.ind lr, $3  }
0x3a: {  	_ = 	snop  }
0x3b: {  	_ = 	snop  }
0x3c: {  	p2 =	seq.s32 s10, $0x1;
	s10 =	sld [smem:$0x3FB8]  }
0x3d: {  	_ =	shalt  }
0x3e: {  	_ =	shalt  }
0x3f: {  	_ =	shalt  }
0x40: {  	_ =	shalt  }
0x41: {  	_ =	shalt  }
0x42: {  	_ =	shalt  }
0x43: {  	_ =	shalt  }
0x44: {  	_ =	shalt  }
0x45: {  	_ =	shalt  }
0x46: {  	_ =	shalt  }
0x47: {  	_ =	shalt  }
0x48: {  	_ =	shalt  }
0x49: {  	_ =	shalt  }
0x4a: {  	_ =	shalt  }
0x4b: {  	_ =	shalt  }
0x4c: {  	_ =	shalt  }
0x4d: {  	_ =	shalt  }
0x4e: {  	_ =	shalt  }
0x4f: {  	_ =	shalt  }
0x50: {  	_ =	shalt  }
0x51: {  	_ =	shalt  }
0x52: {  	_ =	shalt  }
0x53: {  	_ =	shalt  }
0x54: {  	_ =	shalt  }
0x55: {  	_ =	shalt  }
0x56: {  	_ =	shalt  }
0x57: {  	_ =	shalt  }
0x58: {  	_ =	shalt  }
0x59: {  	_ =	shalt  }
0x5a: {  	_ =	shalt  }
0x5b: {  	_ =	shalt  }
0x5c: {  	_ =	shalt  }
0x5d: {  	_ =	shalt  }
0x5e: {  	_ =	shalt  }
0x5f: {  	_ =	shalt  }
0x60: {  	_ =	shalt  }
0x61: {  	_ =	shalt  }
0x62: {  	_ =	shalt  }
0x63: {  	_ =	shalt  }
0x64: {  	_ =	shalt  }
0x65: {  	_ =	shalt  }
0x66: {  	_ =	shalt  }
0x67: {  	_ =	shalt  }
0x68: {  	_ =	shalt  }
0x69: {  	_ =	shalt  }
0x6a: {  	_ =	shalt  }
0x6b: {  	_ =	shalt  }
0x6c: {  	_ =	shalt  }
0x6d: {  	_ =	shalt  }
0x6e: {  	_ =	shalt  }
0x6f: {  	_ =	shalt  }
0x70: {  	_ =	shalt  }
0x71: {  	_ =	shalt  }
0x72: {  	_ =	shalt  }
0x73: {  	_ =	shalt  }
0x74: {  	_ =	shalt  }
0x75: {  	_ =	shalt  }
0x76: {  	_ =	shalt  }
0x77: {  	_ =	shalt  }
0x78: {  	_ =	shalt  }
0x79: {  	_ =	shalt  }
0x7a: {  	_ =	shalt  }
0x7b: {  	_ =	shalt  }
0x7c: {  	_ =	shalt  }
0x7d: {  	_ =	shalt  }
0x7e: {  	_ =	shalt  }
0x7f: {  	_ =	shalt  }
0x80: {  	_ =	shalt  }
0x81: {  	_ =	shalt  }
0x82: {  	_ =	shalt  }
0x83: {  	_ =	shalt  }
0x84: {  	_ =	shalt  }
0x85: {  	_ =	shalt  }
0x86: {  	_ =	shalt  }
0x87: {  	_ =	shalt  }
.Lfunc_end0:
.L_simem_size_0:
called_computation.1_lowered:
.L_overlay_start_0:
0x88: {  	s2 =	sld [smem:$0x3FD9]  }
0x89: {  	s3 =	sld [smem:$0x3FFE];
	_ =	sdelay $0x1  }
0x8a: {  	s1 =	srdreg.scid  }
0x8b: {  	s0 =	sand.u32 $0x1, s1  }
0x8c: {  	s17 =	sshll.u32 s0, $0xA;
	s2 =	sadd.s32 s3, s2  }
0x8d: {  	s2 =	sadd.s32 s2, s17  }
0x8e: {  	[smem:$0x3FC4] =	sst s2  }
0x8f: {  	_ = 	snop  }
0x90: {  	s2 =	sld [smem:$0x3FD0];
	(tm) =	ssettm $0x1  }
0x91: {  	s18 =	sld [smem:$0x3FFB];
	_ =	sdelay $0x3  }
0x92: {  	_ =	strace s18  }
0x93: {  	s3 =	sld [smem:$0x3FFC];
	_ =	sdelay $0x3  }
0x94: {  	_ =	strace s3  }
0x95: {  	s3 =	sld [smem:$0x3FFD];
	_ =	sdelay $0x3  }
0x96: {  	_ =	strace s3  }
0x97: {  	_ =	strace $0x8FFFFFFF  }
0x98: {  	s19 =	sld [smem:$0x3FDB];
	_ =	sdelay $0x1  }
0x99: {  	s4 =	simm.s32 $_scs_section_size  }
0x9a: {  	s5 =	simm.s32 $_size__tile_overlayer_lowered;
	s6 =	simm.s32 $_tile_overlayer_lowered  }
0x9b: {  	s22 =	simm.s32 $0x1BFF;
	s21 =	sshll.u32 s6, $0x1;
	s3 =	sadd.s32 s4, s19  }
0x9c: {  	s7 =	simm.s32 $0x0;
	s20 =	sshll.u32 s5, $0x1;
	s5 =	sadd.s32 s21, s3  }
0x9d: {  	[timem:s7], [sflag:s22] =	dma.local [hbm:s5], s20  }
0x9e: {  	_ =	swait.ge [sflag:s22], s20  }
0x9f: {  	s4 =	ssub.s32 $0x0, s20;
	[sflag:s22] =	ssyncset.done $0x0  }
0xa0: {  	[sflag:s22] =	ssyncadd.s32 s4;
	_ =	sdelay $0x1  }
0xa1: {  	s23 =	simm.s32 $0x1B8B  }
0xa2: {  	_ =	swait.ge [sflag:s23], $0x1  }
0xa3: {  	[sflag:s23] =	ssyncset.done $0x0  }
0xa4: {  	s25 =	simm.s32 $0x1B8E;
	s24 =	sld [smem:$0x3FFE];
	[sflag:s23] =	ssyncadd.s32 $0xFFFFFFFF  }
0xa5: {  	s26 =	simm.s32 $execute0_lowered;
	[smem:$0x3FD2] =	sst s25  }
0xa6: {  	s5 =	sshll.u32 s26, $0x1;
	_ =	strace $0x80000046;
	[dreg:$0x1] =	wrdreg $0xFFFFFFFF  }
0xa7: {  	s28 =	simm.s32 $_size_execute0_lowered;
	s3 =	sadd.s32 s3, s5;
	[dreg:$0x0] =	wrdreg $0x0  }
0xa8: {  	s5 =	sshll.u32 s28, $0x1;
	[dreg:$0x2] =	wrdreg s3  }
0xa9: {  	[dreg:$0x3] =	wrdreg s5  }
0xaa: {  	[dreg:$0x4] =	wrdreg $0xC0  }
0xab: {  	_ =	task [dreg:s7], $0x5FFFF  }
0xac: {  	[dreg:$0x1] =	wrdreg $0xFFFFFFFF  }
0xad: {  	[dreg:$0x0] =	wrdreg $0x60  }
0xae: {  	[dreg:$0x2] =	wrdreg s2  }
0xaf: {  	[dreg:$0x3] =	wrdreg s24  }
0xb0: {  	[dreg:$0x4] =	wrdreg $0x9  }
0xb1: {  	_ =	task.clear_ibuf [dreg:s7], $0x5FFFF;
	_ =	strace $0x90000046  }
0xb2: {  	s29 =	simm.s32 $0x9;
	_ =	strace $0x80000048  }
0xb3: {  	_ =	swait.ge [sflag:s29], $0x1  }
0xb4: {  	[sflag:s29] =	ssyncadd.s32 $0xFFFFFFFF  }
0xb5: {  	_ =	strace $0x90000048  }
0xb6: {  	_ =	sfence  }
0xb7: {  	s30 =	sld [smem:$0x0];
	_ =	sdelay $0x2  }
0xb8: {  	s31 =	sshll.u32 s1, $0xD;
	s1 =	sshrl.u32 s1, $0x2  }
0xb9: {  	s3 =	sand.u32 $0x4000, s31;
	s1 =	sadd.s32 s1, s30  }
0xba: {  	s0 =	sor.u32 s3, s0;
	s1 =	sshll.u32 s1, $0x11  }
0xbb: {  	s0 =	sor.u32 s1, s0  }
0xbc: {  	s0 =	sadd.s32 $0x8F2B, s0  }
0xbd: {  	[sflag:s0] =	ssyncadd.remote.s32 $0x1  }
0xbe: {  	_ =	sfence.sel $0xFFFF  }
0xbf: {  	[dreg:$0x0] =	wrdreg $0xFFFFFFFF;
	(pc) =	sbr.abs _section_cstart, $3  }
0xc0: {  	[dreg:$0x1] =	wrdreg $0xFFFFFFFF  }
0xc1: {  	_ =	task.clear_ibuf [dreg:s7], $0x2FFFF;
	_ =	strace $0x9FFFFFFF  }
0xc2: {  	(tm) =	ssettm $0x7FFFFFFF  }
0xc3: {  	_ =	shalt  }
tec
execute0_lowered:
.L_overlay_start_1:
0x0: {  	(tag) =	ssettag $0x1  }
0x1: {  	s2 =	rddreg [dreg:$0x0]  }
0x2: {  	s6 =	rddreg [dreg:$0x1]  }
0x3: {  	s1 =	stileid.u32;
	s3 =	srdreg.scid  }
0x4: {  	s0 =	rddreg [dreg:$0x2];
	s4 =	sshll.u32 s1, $0xA;
	s7 =	sand.u32 $0x1, s3  }
0x5: {  	s3 =	simm.s32 $0x0;
	s4 =	sadd.s32 s4, s6;
	s5 =	sshll.u32 s7, $0xE  }
0x6: {  	[smem:$0x7FF] =	sst s3;
	s8 =	ssub.s32 $0x2, s7;
	s4 =	sadd.s32 s5, s4  }
0x7: {  	_ =	strace $0x80000047;
	s5 =	simm.s32 $0x2;
	s4 =	sadd.s32 $0xC00, s4  }
0x8: {  	[tilespmem:s3], [sflag:$0x2] =	stream.linear.gather [hbm4b:s4+s3], $0x2000, $0x38;
	[tilespmem:$0x4000] =	vst v63  }
0x9: {  	s9 =	sshrl.u32 s8, $0x1;
	_ =	swait.ge [sflag:s5], $0x2000  }
0xa: {  	s6 =	sadd.s32 $0x8C00, s6;
	s8 =	ssub.s32 s8, s9;
	[sflag:s5] =	ssyncset.done $0x0  }
0xb: {  	s7 =	simm.s32 $0x2000;
	s9 =	smax.u32 s8, $0x1;
	[sflag:s5] =	ssyncadd.s32 $0xFFFFE000  }
0xc: {  	[tilespmem:s7], [sflag:$0x2] =	stream.linear.gather [hbm4b:s6+s3], $0x2000, $0x38;
	[tilespmem:$0x4000] =	vst v63  }
0xd: {  	p0 =	sne.s32 s9, $0x1;
	_ =	swait.ge [sflag:s5], $0x2000  }
.Ltmp0:
0xe: {  	[sflag:s5] =	ssyncset.done $0x0;
	(pc) =	sbr.rel @!p0 .LBB2_2-.Ltmp0, $4  }
0xf: {  	s8 =	simm.s32 $0x1;
	[sflag:s5] =	ssyncadd.s32 $0xFFFFE000  }
0x10: {  	[hbm4b:s2+s7] =	stream.indirect.scatter [tilespmem:s7], [sflag:$0x1], $0x1, s3, s7, $0xb8;
	[tilespmem:$0x4000] =	vst v63  }
0x11: {  	_ =	swait.ge [sflag:s8], $0x2000  }
0x12: {  	s9 =	sadd.s32 $0xFFFFFFFF, s9;
	[sflag:s8] =	ssyncset.done $0x0  }
.LBB2_1:
0x13: {  	p0 =	sne.s32 s9, $0x1;
	s9 =	sadd.s32 $0xFFFFFFFF, s9;
	[sflag:s8] =	ssyncadd.s32 $0xFFFFE000  }
0x14: {  	[tilespmem:s3], [sflag:$0x2] =	stream.linear.gather [hbm4b:s4+s3], $0x2000, $0x38;
	[tilespmem:$0x4000] =	vst v63  }
0x15: {  	_ =	swait.ge [sflag:s5], $0x2000  }
0x16: {  	[sflag:s5] =	ssyncset.done $0x0  }
0x17: {  	[sflag:s5] =	ssyncadd.s32 $0xFFFFE000  }
0x18: {  	[tilespmem:s7], [sflag:$0x2] =	stream.linear.gather [hbm4b:s6+s3], $0x2000, $0x38;
	[tilespmem:$0x4000] =	vst v63  }
0x19: {  	_ =	swait.ge [sflag:s5], $0x2000  }
.Ltmp1:
0x1a: {  	[sflag:s5] =	ssyncset.done $0x0;
	(pc) =	sbr.rel @p0 .LBB2_1-.Ltmp1, $4  }
0x1b: {  	[sflag:s5] =	ssyncadd.s32 $0xFFFFE000  }
0x1c: {  	[hbm4b:s2+s7] =	stream.indirect.scatter [tilespmem:s7], [sflag:$0x1], $0x1, s3, s7, $0xb8;
	[tilespmem:$0x4000] =	vst v63  }
0x1d: {  	_ =	swait.ge [sflag:s8], $0x2000  }
0x1e: {  	[sflag:s8] =	ssyncset.done $0x0  }
.LBB2_2:
0x1f: {  	[sflag:s8] =	ssyncadd.s32 $0xFFFFE000  }
0x20: {  	_ =	sfence.sel $0x180000  }
0x21: {  	[bflag:$0x0] =	sbarrier.arrive $0xFFFF  }
0x22: {  	p0 =	sne.s32 s1, $0x0;
	_ =	strace $0x90000047  }
0x23: {  	s0 =	sadd.s32 @!p0 $0x100000, s0;
	[bflag:$0x2] =	sbarrier.arrive $0xFFFF  }
0x24: {  	[sflag:s0] =	ssyncadd.tile.s32 @!p0 $0x1;
	_ =	shalt  }
.Lfunc_end2:
_tile_overlayer_lowered:
.L_overlay_start_2:
0x25: {  	(tag) =	ssettag $0x2  }
0x26: {  	s0 =	rddreg [dreg:$0x0];
	s2 =	stileid.u32  }
0x27: {  	s1 =	rddreg [dreg:$0x1];
	p0 =	sne.s32 s2, $0x0  }
0x28: {  	s3 =	rddreg [dreg:$0x2];
	[bflag:$0x3] =	sbarrier.arrive $0xFFFF;
	s2 =	simm.s32 @!p0 $0x1C02  }
0x29: {  	[timem:s3], [sflag:s2] =	dma.local @!p0 [hbm:s0], s1  }
0x2a: {  	s0 =	simm.s32 @!p0 $0x2  }
0x2b: {  	_ =	swait.ge @!p0 [sflag:s0], s1  }
0x2c: {  	s1 =	ssub.s32 @!p0 $0x0, s1;
	[sflag:s0] =	ssyncset.done @!p0 $0x0  }
0x2d: {  	[sflag:s0] =	ssyncadd.s32 @!p0 s1  }
0x2e: {  	[bflag:$0x3] =	sbarrier.arrive $0xFFFF  }
0x2f: {  	_ =	shalt  }

// kernel: sparse-core-data-format-call.cloned.1.call-start
scs
called_computation_lowered:
.L_overlay_start_0:
0x0: {  	s2 =	sld [smem:$0x3FD9]  }
0x1: {  	s3 =	sld [smem:$0x3FFE];
	_ =	sdelay $0x1  }
0x2: {  	s1 =	srdreg.scid  }
0x3: {  	s0 =	sand.u32 $0x1, s1  }
0x4: {  	s18 =	sshll.u32 s0, $0xA;
	s2 =	sadd.s32 s3, s2  }
0x5: {  	s2 =	sadd.s32 s2, s18  }
0x6: {  	[smem:$0x3FC4] =	sst s2  }
0x7: {  	_ = 	snop  }
0x8: {  	s2 =	sld [smem:$0x3FD0];
	(tm) =	ssettm $0x1  }
0x9: {  	s19 =	sld [smem:$0x3FFB];
	_ =	sdelay $0x3  }
0xa: {  	_ =	strace s19  }
0xb: {  	s3 =	sld [smem:$0x3FFC];
	_ =	sdelay $0x3  }
0xc: {  	_ =	strace s3  }
0xd: {  	s3 =	sld [smem:$0x3FFD];
	_ =	sdelay $0x3  }
0xe: {  	_ =	strace s3  }
0xf: {  	_ =	strace $0x8FFFFFFF  }
0x10: {  	s20 =	sld [smem:$0x3FDB];
	_ =	sdelay $0x1  }
0x11: {  	s4 =	simm.s32 $_scs_section_size  }
0x12: {  	s5 =	simm.s32 $_size__tile_overlayer_lowered;
	s6 =	simm.s32 $_tile_overlayer_lowered  }
0x13: {  	s23 =	simm.s32 $0x1BFF;
	s22 =	sshll.u32 s6, $0x1;
	s3 =	sadd.s32 s4, s20  }
0x14: {  	s7 =	simm.s32 $0x0;
	s21 =	sshll.u32 s5, $0x1;
	s5 =	sadd.s32 s22, s3  }
0x15: {  	[timem:s7], [sflag:s23] =	dma.local [hbm:s5], s21  }
0x16: {  	_ =	swait.ge [sflag:s23], s21  }
0x17: {  	s4 =	ssub.s32 $0x0, s21;
	[sflag:s23] =	ssyncset.done $0x0  }
0x18: {  	[sflag:s23] =	ssyncadd.s32 s4;
	_ =	sdelay $0x1  }
0x19: {  	s24 =	simm.s32 $0x1B8B  }
0x1a: {  	_ =	swait.ge [sflag:s24], $0x1  }
0x1b: {  	[sflag:s24] =	ssyncset.done $0x0  }
0x1c: {  	s26 =	simm.s32 $0x1B8E;
	s25 =	sld [smem:$0x3FFE];
	[sflag:s24] =	ssyncadd.s32 $0xFFFFFFFF  }
0x1d: {  	s27 =	simm.s32 $execute0_lowered;
	[smem:$0x3FD2] =	sst s26  }
0x1e: {  	s5 =	sshll.u32 s27, $0x1;
	_ =	strace $0x80000049;
	[dreg:$0x1] =	wrdreg $0xFFFFFFFF  }
0x1f: {  	s28 =	simm.s32 $_size_execute0_lowered;
	s3 =	sadd.s32 s3, s5;
	[dreg:$0x0] =	wrdreg $0x0  }
0x20: {  	s5 =	sshll.u32 s28, $0x1;
	[dreg:$0x2] =	wrdreg s3  }
0x21: {  	[dreg:$0x3] =	wrdreg s5  }
0x22: {  	[dreg:$0x4] =	wrdreg $0xC0  }
0x23: {  	_ =	task [dreg:s7], $0x5FFFF  }
0x24: {  	[dreg:$0x1] =	wrdreg $0xFFFFFFFF  }
0x25: {  	[dreg:$0x0] =	wrdreg $0x60  }
0x26: {  	[dreg:$0x2] =	wrdreg s25  }
0x27: {  	[dreg:$0x3] =	wrdreg s2  }
0x28: {  	[dreg:$0x4] =	wrdreg $0x9  }
0x29: {  	_ =	task.clear_ibuf [dreg:s7], $0x5FFFF;
	_ =	strace $0x90000049  }
0x2a: {  	s29 =	simm.s32 $0x9;
	_ =	strace $0x8000004B  }
0x2b: {  	_ =	swait.ge [sflag:s29], $0x1  }
0x2c: {  	[sflag:s29] =	ssyncadd.s32 $0xFFFFFFFF  }
0x2d: {  	_ =	strace $0x9000004B  }
0x2e: {  	_ =	sfence  }
0x2f: {  	s30 =	sld [smem:$0x0];
	_ =	sdelay $0x2  }
0x30: {  	s31 =	sshll.u32 s1, $0xD;
	s1 =	sshrl.u32 s1, $0x2  }
0x31: {  	s3 =	sand.u32 $0x4000, s31;
	s1 =	sadd.s32 s1, s30  }
0x32: {  	s0 =	sor.u32 s3, s0;
	s1 =	sshll.u32 s1, $0x11  }
0x33: {  	s0 =	sor.u32 s1, s0  }
0x34: {  	s0 =	sadd.s32 $0x8F2B, s0  }
0x35: {  	[sflag:s0] =	ssyncadd.remote.s32 $0x1  }
0x36: {  	_ =	sfence.sel $0xFFFF  }
0x37: {  	[dreg:$0x0] =	wrdreg $0xFFFFFFFF;
	(pc) =	sbr.abs _section_cstart, $3  }
0x38: {  	[dreg:$0x1] =	wrdreg $0xFFFFFFFF  }
0x39: {  	_ =	task.clear_ibuf [dreg:s7], $0x2FFFF;
	_ =	strace $0x9FFFFFFF  }
0x3a: {  	(tm) =	ssettm $0x7FFFFFFF  }
0x3b: {  	_ =	shalt  }
tec
execute0_lowered:
.L_overlay_start_1:
0x0: {  	(tag) =	ssettag $0x1  }
0x1: {  	s4 =	rddreg [dreg:$0x0]  }
0x2: {  	s0 =	srdreg.scid;
	s2 =	rddreg [dreg:$0x1]  }
0x3: {  	s1 =	stileid.u32;
	s5 =	simm.s32 $0x1;
	s0 =	sshll.u32 s0, $0x4  }
0x4: {  	s7 =	simm.s32 $0x2;
	s11 =	simm.s32 $0x0;
	s3 =	sand.u32 $0x10, s0  }
.Ltmp0:
0x5: {  	p0 =	por $0x0, $0x0;
	s3 =	sor.u32 s1, s3;
	(pc) =	sbr.rel .LBB1_1-.Ltmp0, $4  }
0x6: {  	s8 =	simm.s32 $0x7A1400;
	s10 =	simm.s32 $0x0;
	s3 =	sshll.u32 s3, $0x7  }
0x7: {  	s0 =	rddreg [dreg:$0x2];
	_ =	strace $0x8000004A;
	s6 =	ssub.s32 $0xF4200, s3  }
0x8: {  	s4 =	sadd.s32 $0xC00, s4;
	[sflag:s5] =	ssyncpa.u1 $0x0;
	s6 =	sshrl.u32 s6, $0xC  }
0x9: {  	[sflag:s7] =	ssyncpa.u1 $0x0;
	s9 =	smov.u32 s3;
	s7 =	sadd.s32 $0x2, s6  }
.LBB1_5:
0xa: {  	s13 =	sadd.s32 $0x1000, s9  }
0xb: {  	p2 =	sgt.s32 s13, $0xF423F  }
0xc: {  	s13 =	smov.u32 @p2 s3;
	p2 =	sne.s32 s10, s7  }
.Ltmp1:
0xd: {  	p1 =	slt.u32 s10, $0x2;
	(pc) =	sbr.rel @!p2 .LBB1_6-.Ltmp1, $4  }
0xe: {  	s12 =	simm.s32 @!p1 $0x2  }
0xf: {  	s14 =	sadd.s32 $0x1, s10;
	_ =	swait.ge @!p1 [sflag:s12], $0x800  }
0x10: {  	s11 =	smov.u32 s9;
	p0 =	por !p0, !p0;
	[sflag:s12] =	ssyncset.done @!p1 $0x0  }
0x11: {  	s10 =	smov.u32 s14;
	s9 =	smov.u32 s13;
	[sflag:s12] =	ssyncadd.s32 @!p1 $0xFFFFF800  }
.LBB1_1:
0x12: {  	p1 =	sgt.u32 s10, s6  }
0x13: {  	s13 =	smov.u32 s9;
	p2 =	sgt.s32 @!p1 s9, $0xF41C0  }
0x14: {  	s12 =	sand.u32 @!p1 $0x1FFFFFF, s9;
	s14 =	sshra.s32 @!p1 s9, $0x1F;
	p2 =	por !p2, p1  }
0x15: {  	s15 =	smulhi.u32 @!p1 $0x218DEF5, s12;
	s14 =	sand.u32 @!p1 s14, s9;
	s13 =	simm.s32 @p2 $0xF41C0  }
0x16: {  	s13 =	ssub.s32 @!p1 s13, s14  }
0x17: {  	s14 =	sshrl.u32 @!p1 s15, $0xD;
	s13 =	sadd.s32 @!p1 $0xFFF0BE40, s13  }
0x18: {  	s15 =	sxor.u32 @!p1 $0xFFFFFFFF, s10;
	s14 =	smul.u32 @!p1 $0xF4240, s14;
	s16 =	sshll.u32 @!p1 s13, $0x6  }
0x19: {  	s15 =	sshll.u32 @!p1 s15, $0xB;
	p2 =	sgt.s32 @!p1 s13, $0x7F;
	s13 =	ssub.s32 @!p1 $0x2000, s16  }
0x1a: {  	s12 =	ssub.s32 @!p1 s12, s14;
	p2 =	por !p2, p1;
	s14 =	sand.u32 @!p1 $0x800, s15  }
0x1b: {  	s15 =	simm.s32 @!p1 $0x10;
	s13 =	sshrl.u32 @!p1 s13, $0x2;
	s12 =	sshll.u32 @!p1 s12, $0x4  }
0x1c: {  	s16 =	simm.s32 @!p1 $0x80;
	s13 =	simm.s32 @!p2 $0x0;
	s12 =	sadd.s32 @!p1 s4, s12  }
0x1d: {  	[tilespmem:s14], [sflag:$0x1] =	stream.strided.gather @!p1 [hbm4b:s12+s15], s13, s16, s15, $0x38;
	[tilespmem:$0x2020] =	vst v63  }
0x1e: {  	p1 =	seq.s32 s10, $0x0  }
0x1f: {  	p2 =	sge.u32 @!p1 s10, s7  }
0x20: {  	p1 =	por p1, p2  }
.Ltmp2:
0x21: {  	_ = 	snop;
	(pc) =	sbr.rel @p1 .LBB1_5-.Ltmp2, $1  }
0x22: {  	_ =	sdelay $0x3  }
0x23: {  	p1 =	sgt.s32 s11, $0xF41C0;
	s12 =	smov.u32 s11;
	s13 =	sshra.s32 s11, $0x1F  }
0x24: {  	s12 =	simm.s32 @!p1 $0xF41C0;
	s13 =	sand.u32 s13, s11  }
0x25: {  	s12 =	ssub.s32 s12, s13  }
0x26: {  	s12 =	sadd.s32 $0xFFF0BE40, s12  }
0x27: {  	s29 =	sshll.u32 s12, $0x6  }
0x28: {  	s13 =	ssub.s32 $0x2000, s29  }
0x29: {  	p1 =	sgt.s32 s12, $0x7F;
	s12 =	sshrl.u32 s13, $0x2  }
0x2a: {  	s13 =	simm.s32 $0x1;
	s12 =	simm.s32 @p1 $0x0  }
0x2b: {  	s13 =	simm.s32 @!p0 $0x0;
	_ =	swait.ge [sflag:s5], s12  }
0x2c: {  	s14 =	sshll.u32 s13, $0xB;
	s12 =	ssub.s32 $0x0, s12;
	[sflag:s5] =	ssyncset.done $0x0  }
0x2d: {  	s15 =	sor.u32 $0x40, s14;
	[sflag:s5] =	ssyncadd.s32 s12  }
0x2e: {  	v1 =	vld [tilespmem:s15+$0x30]  }
0x2f: {  	s30 =	smul.u32 $0x2040, s13;
	v4 =	vld [tilespmem:s15+$0xFFFFFFD0]  }
0x30: {  	v5 =	vld [tilespmem:s15+$0xFFFFFFE0]  }
0x31: {  	s31 =	sand.u32 $0x1, s10;
	s12 =	sshrl.u32 s30, $0x2;
	v2 =	vld [tilespmem:s15+$0xFFFFFFF0]  }
0x32: {  	s13 =	smul.u32 $0x2040, s31;
	s12 =	sor.u32 $0x1007, s12;
	v3 =	vld [tilespmem:s15+$0x0]  }
0x33: {  	v0 =	vld [tilespmem:s15+$0x10];
	[tilespmem:s12+$0x0 ss:$0x81] =	vst.msk $0xffff, v1  }
0x34: {  	s13 =	sshrl.u32 s13, $0x2;
	[tilespmem:s12+$0xFFFFFFFA ss:$0x81] =	vst.msk $0xffff, v4;
	v4 =	vld [tilespmem:s15+$0x20]  }
0x35: {  	s14 =	simm.s32 $0x0;
	s13 =	sor.u32 $0x1000, s13;
	v1 =	vld [tilespmem:s15+$0xFFFFFFC0];
	[tilespmem:s12+$0xFFFFFFFB ss:$0x81] =	vst.msk $0xffff, v5;
	s15 =	sadd.s32 $0x80, s15  }
.LBB1_3:
0x36: {  	v5 =	vld [tilespmem:s15+$0x30];
	s14 =	sadd.s32 $0x8, s14;
	[tilespmem:s12+$0xFFFFFFFC ss:$0x81] =	vst.msk $0xffff, v2  }
0x37: {  	v6 =	vld [tilespmem:s15+$0xFFFFFFD0];
	p1 =	slt.u32 s14, $0x78;
	[tilespmem:s12+$0xFFFFFFFD ss:$0x81] =	vst.msk $0xffff, v3  }
0x38: {  	v7 =	vld [tilespmem:s15+$0xFFFFFFE0];
	[tilespmem:s12+$0xFFFFFFFE ss:$0x81] =	vst.msk $0xffff, v0  }
.Ltmp3:
0x39: {  	v2 =	vld [tilespmem:s15+$0xFFFFFFF0];
	[tilespmem:s12+$0xFFFFFFFF ss:$0x81] =	vst.msk $0xffff, v4;
	(pc) =	sbr.rel @p1 .LBB1_3-.Ltmp3, $4  }
0x3a: {  	v3 =	vld [tilespmem:s15+$0x0];
	[tilespmem:s12+$0xFFFFFFF9 ss:$0x81] =	vst.msk $0xffff, v1;
	s12 =	sadd.s32 $0x8, s12  }
0x3b: {  	v0 =	vld [tilespmem:s15+$0x10];
	[tilespmem:s12+$0x0 ss:$0x81] =	vst.msk $0xffff, v5  }
0x3c: {  	[tilespmem:s12+$0xFFFFFFFA ss:$0x81] =	vst.msk $0xffff, v6;
	v4 =	vld [tilespmem:s15+$0x20]  }
0x3d: {  	v1 =	vld [tilespmem:s15+$0xFFFFFFC0];
	[tilespmem:s12+$0xFFFFFFFB ss:$0x81] =	vst.msk $0xffff, v7;
	s15 =	sadd.s32 $0x80, s15  }
0x3e: {  	s14 =	sshll.u32 s11, $0x3  }
0x3f: {  	s30 =	sand.u32 $0x7F, s11;
	s14 =	sand.u32 $0xFFFFFC00, s14  }
0x40: {  	s11 =	sor.u32 s30, s14  }
0x41: {  	s15 =	smulhi.u32 $0x218D6287, s11;
	_ =	sdelay $0x1  }
0x42: {  	s14 =	smulhi.u32 $0x218D6287, s14;
	s15 =	sshrl.u32 s15, $0x11  }
0x43: {  	s15 =	smul.u32 $0xF4280, s15  }
0x44: {  	[tilespmem:s12+$0xFFFFFFFC ss:$0x81] =	vst.msk $0xffff, v2;
	s14 =	sshrl.u32 s14, $0x11  }
.Ltmp4:
0x45: {  	[tilespmem:s12+$0xFFFFFFFD ss:$0x81] =	vst.msk $0xffff, v3;
	s14 =	sand.u32 $0xF, s14;
	s11 =	ssub.s32 s11, s15;
	(pc) =	sbr.rel .LBB1_5-.Ltmp4, $4  }
0x46: {  	[tilespmem:s12+$0xFFFFFFFE ss:$0x81] =	vst.msk $0xffff, v0;
	s14 =	smul.u32 $0x1E850, s14;
	s15 =	sshrl.u32 s11, $0x3;
	s11 =	sand.u32 $0x7, s11  }
0x47: {  	[tilespmem:s12+$0xFFFFFFFF ss:$0x81] =	vst.msk $0xffff, v4;
	s15 =	sadd.s32 s2, s15;
	s11 =	sshll.u32 s11, $0x12  }
0x48: {  	[tilespmem:s12+$0xFFFFFFF9 ss:$0x81] =	vst.msk $0xffff, v1;
	s31 =	sadd.s32 s14, s15;
	s11 =	sor.u32 $0x400, s11  }
0x49: {  	[hbm4b:s31+s11] =	stream.strided.scatter [tilespmem:s13], [sflag:$0x2], $0x800, s8, s11, $0x20;
	[tilespmem:$0x2020] =	vst v63  }
.LBB1_6:
0x4a: {  	_ =	sfence.sel $0x180000  }
0x4b: {  	s2 =	simm.s32 $0x1;
	[bflag:$0x0] =	sbarrier.arrive $0xFFFF  }
0x4c: {  	s31 =	simm.s32 $0x2;
	[sflag:s2] =	ssyncpa.u1 $0x1  }
0x4d: {  	[sflag:s31] =	ssyncpa.u1 $0x1  }
0x4e: {  	p0 =	sne.s32 s1, $0x0;
	_ =	strace $0x9000004A  }
0x4f: {  	s0 =	sadd.s32 @!p0 $0x100000, s0;
	[bflag:$0x2] =	sbarrier.arrive $0xFFFF  }
0x50: {  	[sflag:s0] =	ssyncadd.tile.s32 @!p0 $0x1;
	_ =	shalt  }
.Lfunc_end1:
_tile_overlayer_lowered:
.L_overlay_start_2:
0x51: {  	(tag) =	ssettag $0x2  }
0x52: {  	s0 =	rddreg [dreg:$0x0];
	s2 =	stileid.u32  }
0x53: {  	s1 =	rddreg [dreg:$0x1];
	p0 =	sne.s32 s2, $0x0  }
0x54: {  	s3 =	rddreg [dreg:$0x2];
	[bflag:$0x3] =	sbarrier.arrive $0xFFFF;
	s2 =	simm.s32 @!p0 $0x1C01  }
0x55: {  	[timem:s3], [sflag:s2] =	dma.local @!p0 [hbm:s0], s1  }
0x56: {  	s0 =	simm.s32 @!p0 $0x1  }
0x57: {  	_ =	swait.ge @!p0 [sflag:s0], s1  }
0x58: {  	s1 =	ssub.s32 @!p0 $0x0, s1;
	[sflag:s0] =	ssyncset.done @!p0 $0x0  }
0x59: {  	[sflag:s0] =	ssyncadd.s32 @!p0 s1  }
0x5a: {  	[bflag:$0x3] =	sbarrier.arrive $0xFFFF  }
0x5b: {  	_ =	shalt  }

</sc_bundles>
